<compile_context>
chip_gen: v7x
topology: tpu7x:2x2x1
jax: 0.10.2.dev20260603
libtpu: 0.0.44.dev20260713+nightly
codegen_flags: <defaults>
</compile_context>

<pallas_src>
import functools

import jax
import jax.numpy as jnp
from jax import lax
from jax.experimental import pallas as pl
from jax.experimental.pallas import tpu as pltpu
from jax.experimental.pallas import tpu_sc as plsc

_K = 1024
_D = 64
_BETA = 0.25
_BT = 512


def _vq_main(x_ref, w_ref, loss_ref, perp_ref, enc_ref, idx_ref, wpad_ref,
             hist_acc, loss_acc, w2_acc, *, n_tokens, n_blocks):
    i = pl.program_id(0)
    xb = x_ref[...]
    w = w_ref[...]

    @pl.when(i == 0)
    def _w2_once():
        w2_acc[...] = jnp.sum(w * w, axis=1, keepdims=True).T
        wpad_ref[...] = jnp.concatenate(
            [w, jnp.zeros((_K, 128 - _D), jnp.float32)], axis=1)

    x2 = jnp.sum(xb * xb, axis=1, keepdims=True)
    xm2 = xb * (-2.0)
    xw2 = jax.lax.dot_general(xm2, w, (((1,), (1,)), ((), ())),
                              preferred_element_type=jnp.float32)
    dist = (x2 + xw2) + w2_acc[...]

    dmin = jnp.min(dist, axis=1, keepdims=True)
    cols = jax.lax.broadcasted_iota(jnp.int32, (_BT, _K), 1)
    idx = jnp.min(jnp.where(dist == dmin, cols, _K),
                  axis=1, keepdims=True)

    enc = (cols == idx).astype(jnp.float32)
    enc_ref[...] = enc
    idx_ref[...] = idx

    block_hist = jax.lax.dot_general(
        jnp.ones((1, _BT), jnp.float32), enc, (((1,), (0,)), ((), ())),
        preferred_element_type=jnp.float32)
    block_loss = jnp.sum(dmin).reshape(1, 1)

    @pl.when(i == 0)
    def _init():
        hist_acc[...] = block_hist
        loss_acc[...] = block_loss

    @pl.when(i != 0)
    def _accum():
        hist_acc[...] += block_hist
        loss_acc[...] += block_loss

    @pl.when(i == n_blocks - 1)
    def _finalize():
        loss_ref[...] = loss_acc[...] * ((1.0 + _BETA) / (n_tokens * _D))
        avg = hist_acc[...] / n_tokens
        perp_ref[...] = jnp.exp(-jnp.sum(avg * jnp.log(avg + 1e-10))).reshape(1, 1)


def _tc_stage(flat, W):
    n_tokens = flat.shape[0]
    n_blocks = n_tokens // _BT
    kfn = functools.partial(_vq_main, n_tokens=n_tokens, n_blocks=n_blocks)
    return pl.pallas_call(
        kfn,
        grid=(n_blocks,),
        in_specs=[
            pl.BlockSpec((_BT, _D), lambda i: (i, 0)),
            pl.BlockSpec((_K, _D), lambda i: (0, 0)),
        ],
        out_specs=[
            pl.BlockSpec((1, 1), lambda i: (0, 0)),
            pl.BlockSpec((1, 1), lambda i: (0, 0)),
            pl.BlockSpec((_BT, _K), lambda i: (i, 0)),
            pl.BlockSpec((_BT, 1), lambda i: (i, 0)),
            pl.BlockSpec((_K, 128), lambda i: (0, 0)),
        ],
        out_shape=[
            jax.ShapeDtypeStruct((1, 1), jnp.float32),
            jax.ShapeDtypeStruct((1, 1), jnp.float32),
            jax.ShapeDtypeStruct((n_tokens, _K), jnp.float32),
            jax.ShapeDtypeStruct((n_tokens, 1), jnp.int32),
            jax.ShapeDtypeStruct((_K, 128), jnp.float32),
        ],
        scratch_shapes=[
            pltpu.VMEM((1, _K), jnp.float32),
            pltpu.VMEM((1, 1), jnp.float32),
            pltpu.VMEM((1, _K), jnp.float32),
        ],
        compiler_params=pltpu.CompilerParams(
            dimension_semantics=("arbitrary",),
        ),
    )(flat, W)


def _sc_gather(W_pad, idx):
    info = plsc.get_sparse_core_info()
    nw = info.num_cores * info.num_subcores
    n_tokens = idx.shape[0]
    b_per_w = n_tokens // nw
    chunk = 256
    n_chunks = b_per_w // chunk
    dp = W_pad.shape[1]
    mesh = plsc.VectorSubcoreMesh(core_axis_name="c", subcore_axis_name="s")

    @functools.partial(
        pl.kernel, mesh=mesh,
        out_type=jax.ShapeDtypeStruct((n_tokens, dp), jnp.float32),
        scratch_types=[
            pltpu.VMEM((b_per_w,), jnp.int32),
            pltpu.VMEM((chunk, dp), jnp.float32),
            pltpu.VMEM((chunk, dp), jnp.float32),
            pltpu.SemaphoreType.DMA,
            pltpu.SemaphoreType.DMA,
        ],
    )
    def gather_k(w_hbm, idx_hbm, out_hbm, idx_v, rows_a, rows_b, sem_a, sem_b):
        wid = lax.axis_index("s") * info.num_cores + lax.axis_index("c")
        base = wid * b_per_w
        pltpu.sync_copy(idx_hbm.at[pl.ds(base, b_per_w)], idx_v)
        rows = (rows_a, rows_b)
        sems = (sem_a, sem_b)

        def start(c):
            return pltpu.async_copy(
                w_hbm.at[idx_v.at[pl.ds(c * chunk, chunk)]],
                rows[c % 2], sems[c % 2])

        copies = [start(0), start(1)]
        for c in range(n_chunks):
            copies[c].wait()
            pltpu.sync_copy(rows[c % 2],
                            out_hbm.at[pl.ds(base + c * chunk, chunk)])
            if c + 2 < n_chunks:
                copies.append(start(c + 2))

    return gather_k(W_pad, idx)


def kernel(x, W):
    flat = x.reshape(-1, _D)
    loss, perp, enc, idx, W_pad = _tc_stage(flat, W)
    quantized = _sc_gather(W_pad, idx.reshape(-1))[:, :_D]
    return (loss[0, 0], quantized, perp[0, 0], enc)

# --- scband reference (transcript-rebuilt; emitter-appended) ---
"""Pipeline reference for scband-quantized-codebook-41549513621707 (READ-ONLY COPY).

The authoritative reference and input builder live on the scoring server;
editing this copy changes nothing except your own understanding.
"""

import jax, jax.numpy as jnp
import numpy as np

NUM_EMBEDDINGS = 1024
EMBEDDING_DIM = 64
BETA = 0.25


def setup_inputs(seed: int = 0) -> dict:
    key = jax.random.key(seed)
    kx, kw = jax.random.split(key)
    x = jax.random.normal(kx, (32, 1024, EMBEDDING_DIM), dtype=jnp.float32)
    # codebook initialized uniform(-1/K, 1/K) as in the torch module
    W = jax.random.uniform(kw, (NUM_EMBEDDINGS, EMBEDDING_DIM), dtype=jnp.float32,
                           minval=-1.0 / NUM_EMBEDDINGS, maxval=1.0 / NUM_EMBEDDINGS)
    return {"x": x, "W": W}


def reference(x, W):
    flat = x.reshape(-1, EMBEDDING_DIM)
    # squared euclidean distances: ||x||^2 - 2 x W^T + ||w||^2
    distances = (jnp.sum(flat ** 2, axis=1, keepdims=True)
                 - 2.0 * flat @ W.T
                 + jnp.sum(W ** 2, axis=1, keepdims=True).T)
    encoding_indices = jnp.argmin(distances, axis=1)
    encodings = jax.nn.one_hot(encoding_indices, NUM_EMBEDDINGS, dtype=flat.dtype)
    quantized = (encodings @ W).reshape(flat.shape)
    e_latent_loss = jnp.mean((flat - jax.lax.stop_gradient(quantized)) ** 2)
    q_latent_loss = jnp.mean((jax.lax.stop_gradient(flat) - quantized) ** 2)
    loss = q_latent_loss + BETA * e_latent_loss
    quantized_st = flat + jax.lax.stop_gradient(quantized - flat)
    avg_probs = jax.lax.stop_gradient(jnp.mean(encodings, axis=0))
    perplexity = jnp.exp(-jnp.sum(avg_probs * jnp.log(avg_probs + 1e-10)))
    return (loss, quantized_st, perplexity, encodings)

if __name__ == "__main__":
    import jax
    _d = setup_inputs()
    print(jax.jit(kernel)(*tuple(_d.values())))

</pallas_src>

<mosaic_0001>
#map = affine_map<(d0, d1) -> (0, 0)>
#map1 = affine_map<(d0, d1) -> (0)>
module attributes {stable_mosaic.version = 14 : i64} {
  func.func @gather_k(%arg0: i32, %arg1: i32, %arg2: memref<1024x128xf32, #tpu.memory_space<hbm>>, %arg3: memref<32768xi32, #tpu.memory_space<hbm>>, %arg4: memref<32768x128xf32, #tpu.memory_space<hbm>>, %arg5: memref<1024xi32, #tpu.memory_space<vmem>>, %arg6: memref<256x128xf32, #tpu.memory_space<vmem>>, %arg7: memref<256x128xf32, #tpu.memory_space<vmem>>, %arg8: memref<!tpu.dma_semaphore, #tpu.memory_space<semaphore_mem>>, %arg9: memref<!tpu.dma_semaphore, #tpu.memory_space<semaphore_mem>>) attributes {dimension_semantics = [#tpu.dimension_semantics<core_parallel>, #tpu.dimension_semantics<subcore_parallel>], iteration_bounds = array<i64: 2, 16>, scalar_prefetch = 0 : i64, scratch_operands = 5 : i64, tpu.core_type = #tpu.core_type<sc_vector_subcore>, window_params = [{transform_indices = #map}, {transform_indices = #map1}, {transform_indices = #map}]} {
    %mul3A = arith.constant 2 : i32
    %mul3A_0 = arith.muli %arg1, %mul3A : i32
    %add3A = arith.addi %mul3A_0, %arg0 : i32
    %mul3A_1 = arith.constant 1024 : i32
    %mul3A_2 = arith.muli %add3A, %mul3A_1 : i32
    "tpu.region"() ({
      %run_scoped3A = tpu.sem_alloc : memref<!tpu.dma_semaphore, #tpu.memory_space<semaphore_mem>>
      %dma_start3A_49 = tpu.memref_slice %arg3[%mul3A_2] : memref<32768xi32, #tpu.memory_space<hbm>> -> memref<1024xi32, #tpu.memory_space<hbm>>
      %dma_start3A_50 = tpu.memref_slice %arg3[%mul3A_2] : memref<32768xi32, #tpu.memory_space<hbm>> -> memref<1024xi32, #tpu.memory_space<hbm>>
      tpu.enqueue_dma source(%dma_start3A_50 : memref<1024xi32, #tpu.memory_space<hbm>>) target(%arg5 : memref<1024xi32, #tpu.memory_space<vmem>>) target_semaphore(%run_scoped3A : memref<!tpu.dma_semaphore, #tpu.memory_space<semaphore_mem>>)
      %dma_wait3A_51 = tpu.memref_slice %arg3[%mul3A_2] : memref<32768xi32, #tpu.memory_space<hbm>> -> memref<1024xi32, #tpu.memory_space<hbm>>
      %dma_wait3A_52 = tpu.memref_slice %arg3[%mul3A_2] : memref<32768xi32, #tpu.memory_space<hbm>> -> memref<1024xi32, #tpu.memory_space<hbm>>
      tpu.wait_dma2 semaphore(%run_scoped3A : memref<!tpu.dma_semaphore, #tpu.memory_space<semaphore_mem>>) src(%dma_wait3A_52 : memref<1024xi32, #tpu.memory_space<hbm>>) dst(%arg5 : memref<1024xi32, #tpu.memory_space<vmem>>)
      tpu.yield
    }) : () -> ()
    %dma_start3A = arith.constant 0 : i32
    %dma_start3A_3 = tpu.memref_slice %arg5[%dma_start3A] : memref<1024xi32, #tpu.memory_space<vmem>> -> memref<256xi32, #tpu.memory_space<vmem>>
    %dma_start3A_4 = arith.constant 0 : i32
    %dma_start3A_5 = arith.constant 0 : i32
    %dma_start3A_6 = tpu.memref_slice %arg2[%dma_start3A_4, %dma_start3A_5] : memref<1024x128xf32, #tpu.memory_space<hbm>> -> memref<1024x128xf32, #tpu.memory_space<hbm>>
    tpu.enqueue_indirect_dma source(%dma_start3A_6 : memref<1024x128xf32, #tpu.memory_space<hbm>>) target(%arg6 : memref<256x128xf32, #tpu.memory_space<vmem>>) offsets(%dma_start3A_3 : memref<256xi32, #tpu.memory_space<vmem>>) semaphore(%arg8 : memref<!tpu.dma_semaphore, #tpu.memory_space<semaphore_mem>>)
    %dma_start3A_7 = arith.constant 256 : i32
    %dma_start3A_8 = tpu.memref_slice %arg5[%dma_start3A_7] : memref<1024xi32, #tpu.memory_space<vmem>> -> memref<256xi32, #tpu.memory_space<vmem>>
    %dma_start3A_9 = arith.constant 0 : i32
    %dma_start3A_10 = arith.constant 0 : i32
    %dma_start3A_11 = tpu.memref_slice %arg2[%dma_start3A_9, %dma_start3A_10] : memref<1024x128xf32, #tpu.memory_space<hbm>> -> memref<1024x128xf32, #tpu.memory_space<hbm>>
    tpu.enqueue_indirect_dma source(%dma_start3A_11 : memref<1024x128xf32, #tpu.memory_space<hbm>>) target(%arg7 : memref<256x128xf32, #tpu.memory_space<vmem>>) offsets(%dma_start3A_8 : memref<256xi32, #tpu.memory_space<vmem>>) semaphore(%arg9 : memref<!tpu.dma_semaphore, #tpu.memory_space<semaphore_mem>>)
    %dma_wait3A = arith.constant 0 : i32
    %dma_wait3A_12 = tpu.memref_slice %arg5[%dma_wait3A] : memref<1024xi32, #tpu.memory_space<vmem>> -> memref<256xi32, #tpu.memory_space<vmem>>
    %dma_wait3A_13 = arith.constant 0 : i32
    %dma_wait3A_14 = arith.constant 0 : i32
    %dma_wait3A_15 = tpu.memref_slice %arg2[%dma_wait3A_13, %dma_wait3A_14] : memref<1024x128xf32, #tpu.memory_space<hbm>> -> memref<1024x128xf32, #tpu.memory_space<hbm>>
    tpu.wait_indirect_dma semaphore(%arg8 : memref<!tpu.dma_semaphore, #tpu.memory_space<semaphore_mem>>) src(%dma_wait3A_15 : memref<1024x128xf32, #tpu.memory_space<hbm>>) dst(%arg6 : memref<256x128xf32, #tpu.memory_space<vmem>>)
    %add3A_16 = arith.constant 0 : i32
    %add3A_17 = arith.addi %mul3A_2, %add3A_16 : i32
    "tpu.region"() ({
      %run_scoped3A = tpu.sem_alloc : memref<!tpu.dma_semaphore, #tpu.memory_space<semaphore_mem>>
      %dma_start3A_49 = arith.constant 0 : i32
      %dma_start3A_50 = tpu.memref_slice %arg4[%add3A_17, %dma_start3A_49] : memref<32768x128xf32, #tpu.memory_space<hbm>> -> memref<256x128xf32, #tpu.memory_space<hbm>>
      %dma_start3A_51 = arith.constant 0 : i32
      %dma_start3A_52 = tpu.memref_slice %arg4[%add3A_17, %dma_start3A_51] : memref<32768x128xf32, #tpu.memory_space<hbm>> -> memref<256x128xf32, #tpu.memory_space<hbm>>
      tpu.enqueue_dma source(%arg6 : memref<256x128xf32, #tpu.memory_space<vmem>>) target(%dma_start3A_52 : memref<256x128xf32, #tpu.memory_space<hbm>>) target_semaphore(%run_scoped3A : memref<!tpu.dma_semaphore, #tpu.memory_space<semaphore_mem>>)
      %dma_wait3A_53 = arith.constant 0 : i32
      %dma_wait3A_54 = tpu.memref_slice %arg4[%add3A_17, %dma_wait3A_53] : memref<32768x128xf32, #tpu.memory_space<hbm>> -> memref<256x128xf32, #tpu.memory_space<hbm>>
      %dma_wait3A_55 = arith.constant 0 : i32
      %dma_wait3A_56 = tpu.memref_slice %arg4[%add3A_17, %dma_wait3A_55] : memref<32768x128xf32, #tpu.memory_space<hbm>> -> memref<256x128xf32, #tpu.memory_space<hbm>>
      tpu.wait_dma2 semaphore(%run_scoped3A : memref<!tpu.dma_semaphore, #tpu.memory_space<semaphore_mem>>) src(%arg6 : memref<256x128xf32, #tpu.memory_space<vmem>>) dst(%dma_wait3A_56 : memref<256x128xf32, #tpu.memory_space<hbm>>)
      tpu.yield
    }) : () -> ()
    %dma_start3A_18 = arith.constant 512 : i32
    %dma_start3A_19 = tpu.memref_slice %arg5[%dma_start3A_18] : memref<1024xi32, #tpu.memory_space<vmem>> -> memref<256xi32, #tpu.memory_space<vmem>>
    %dma_start3A_20 = arith.constant 0 : i32
    %dma_start3A_21 = arith.constant 0 : i32
    %dma_start3A_22 = tpu.memref_slice %arg2[%dma_start3A_20, %dma_start3A_21] : memref<1024x128xf32, #tpu.memory_space<hbm>> -> memref<1024x128xf32, #tpu.memory_space<hbm>>
    tpu.enqueue_indirect_dma source(%dma_start3A_22 : memref<1024x128xf32, #tpu.memory_space<hbm>>) target(%arg6 : memref<256x128xf32, #tpu.memory_space<vmem>>) offsets(%dma_start3A_19 : memref<256xi32, #tpu.memory_space<vmem>>) semaphore(%arg8 : memref<!tpu.dma_semaphore, #tpu.memory_space<semaphore_mem>>)
    %dma_wait3A_23 = arith.constant 256 : i32
    %dma_wait3A_24 = tpu.memref_slice %arg5[%dma_wait3A_23] : memref<1024xi32, #tpu.memory_space<vmem>> -> memref<256xi32, #tpu.memory_space<vmem>>
    %dma_wait3A_25 = arith.constant 0 : i32
    %dma_wait3A_26 = arith.constant 0 : i32
    %dma_wait3A_27 = tpu.memref_slice %arg2[%dma_wait3A_25, %dma_wait3A_26] : memref<1024x128xf32, #tpu.memory_space<hbm>> -> memref<1024x128xf32, #tpu.memory_space<hbm>>
    tpu.wait_indirect_dma semaphore(%arg9 : memref<!tpu.dma_semaphore, #tpu.memory_space<semaphore_mem>>) src(%dma_wait3A_27 : memref<1024x128xf32, #tpu.memory_space<hbm>>) dst(%arg7 : memref<256x128xf32, #tpu.memory_space<vmem>>)
    %add3A_28 = arith.constant 256 : i32
    %add3A_29 = arith.addi %mul3A_2, %add3A_28 : i32
    "tpu.region"() ({
      %run_scoped3A = tpu.sem_alloc : memref<!tpu.dma_semaphore, #tpu.memory_space<semaphore_mem>>
      %dma_start3A_49 = arith.constant 0 : i32
      %dma_start3A_50 = tpu.memref_slice %arg4[%add3A_29, %dma_start3A_49] : memref<32768x128xf32, #tpu.memory_space<hbm>> -> memref<256x128xf32, #tpu.memory_space<hbm>>
      %dma_start3A_51 = arith.constant 0 : i32
      %dma_start3A_52 = tpu.memref_slice %arg4[%add3A_29, %dma_start3A_51] : memref<32768x128xf32, #tpu.memory_space<hbm>> -> memref<256x128xf32, #tpu.memory_space<hbm>>
      tpu.enqueue_dma source(%arg7 : memref<256x128xf32, #tpu.memory_space<vmem>>) target(%dma_start3A_52 : memref<256x128xf32, #tpu.memory_space<hbm>>) target_semaphore(%run_scoped3A : memref<!tpu.dma_semaphore, #tpu.memory_space<semaphore_mem>>)
      %dma_wait3A_53 = arith.constant 0 : i32
      %dma_wait3A_54 = tpu.memref_slice %arg4[%add3A_29, %dma_wait3A_53] : memref<32768x128xf32, #tpu.memory_space<hbm>> -> memref<256x128xf32, #tpu.memory_space<hbm>>
      %dma_wait3A_55 = arith.constant 0 : i32
      %dma_wait3A_56 = tpu.memref_slice %arg4[%add3A_29, %dma_wait3A_55] : memref<32768x128xf32, #tpu.memory_space<hbm>> -> memref<256x128xf32, #tpu.memory_space<hbm>>
      tpu.wait_dma2 semaphore(%run_scoped3A : memref<!tpu.dma_semaphore, #tpu.memory_space<semaphore_mem>>) src(%arg7 : memref<256x128xf32, #tpu.memory_space<vmem>>) dst(%dma_wait3A_56 : memref<256x128xf32, #tpu.memory_space<hbm>>)
      tpu.yield
    }) : () -> ()
    %dma_start3A_30 = arith.constant 768 : i32
    %dma_start3A_31 = tpu.memref_slice %arg5[%dma_start3A_30] : memref<1024xi32, #tpu.memory_space<vmem>> -> memref<256xi32, #tpu.memory_space<vmem>>
    %dma_start3A_32 = arith.constant 0 : i32
    %dma_start3A_33 = arith.constant 0 : i32
    %dma_start3A_34 = tpu.memref_slice %arg2[%dma_start3A_32, %dma_start3A_33] : memref<1024x128xf32, #tpu.memory_space<hbm>> -> memref<1024x128xf32, #tpu.memory_space<hbm>>
    tpu.enqueue_indirect_dma source(%dma_start3A_34 : memref<1024x128xf32, #tpu.memory_space<hbm>>) target(%arg7 : memref<256x128xf32, #tpu.memory_space<vmem>>) offsets(%dma_start3A_31 : memref<256xi32, #tpu.memory_space<vmem>>) semaphore(%arg9 : memref<!tpu.dma_semaphore, #tpu.memory_space<semaphore_mem>>)
    %dma_wait3A_35 = arith.constant 512 : i32
    %dma_wait3A_36 = tpu.memref_slice %arg5[%dma_wait3A_35] : memref<1024xi32, #tpu.memory_space<vmem>> -> memref<256xi32, #tpu.memory_space<vmem>>
    %dma_wait3A_37 = arith.constant 0 : i32
    %dma_wait3A_38 = arith.constant 0 : i32
    %dma_wait3A_39 = tpu.memref_slice %arg2[%dma_wait3A_37, %dma_wait3A_38] : memref<1024x128xf32, #tpu.memory_space<hbm>> -> memref<1024x128xf32, #tpu.memory_space<hbm>>
    tpu.wait_indirect_dma semaphore(%arg8 : memref<!tpu.dma_semaphore, #tpu.memory_space<semaphore_mem>>) src(%dma_wait3A_39 : memref<1024x128xf32, #tpu.memory_space<hbm>>) dst(%arg6 : memref<256x128xf32, #tpu.memory_space<vmem>>)
    %add3A_40 = arith.constant 512 : i32
    %add3A_41 = arith.addi %mul3A_2, %add3A_40 : i32
    "tpu.region"() ({
      %run_scoped3A = tpu.sem_alloc : memref<!tpu.dma_semaphore, #tpu.memory_space<semaphore_mem>>
      %dma_start3A_49 = arith.constant 0 : i32
      %dma_start3A_50 = tpu.memref_slice %arg4[%add3A_41, %dma_start3A_49] : memref<32768x128xf32, #tpu.memory_space<hbm>> -> memref<256x128xf32, #tpu.memory_space<hbm>>
      %dma_start3A_51 = arith.constant 0 : i32
      %dma_start3A_52 = tpu.memref_slice %arg4[%add3A_41, %dma_start3A_51] : memref<32768x128xf32, #tpu.memory_space<hbm>> -> memref<256x128xf32, #tpu.memory_space<hbm>>
      tpu.enqueue_dma source(%arg6 : memref<256x128xf32, #tpu.memory_space<vmem>>) target(%dma_start3A_52 : memref<256x128xf32, #tpu.memory_space<hbm>>) target_semaphore(%run_scoped3A : memref<!tpu.dma_semaphore, #tpu.memory_space<semaphore_mem>>)
      %dma_wait3A_53 = arith.constant 0 : i32
      %dma_wait3A_54 = tpu.memref_slice %arg4[%add3A_41, %dma_wait3A_53] : memref<32768x128xf32, #tpu.memory_space<hbm>> -> memref<256x128xf32, #tpu.memory_space<hbm>>
      %dma_wait3A_55 = arith.constant 0 : i32
      %dma_wait3A_56 = tpu.memref_slice %arg4[%add3A_41, %dma_wait3A_55] : memref<32768x128xf32, #tpu.memory_space<hbm>> -> memref<256x128xf32, #tpu.memory_space<hbm>>
      tpu.wait_dma2 semaphore(%run_scoped3A : memref<!tpu.dma_semaphore, #tpu.memory_space<semaphore_mem>>) src(%arg6 : memref<256x128xf32, #tpu.memory_space<vmem>>) dst(%dma_wait3A_56 : memref<256x128xf32, #tpu.memory_space<hbm>>)
      tpu.yield
    }) : () -> ()
    %dma_wait3A_42 = arith.constant 768 : i32
    %dma_wait3A_43 = tpu.memref_slice %arg5[%dma_wait3A_42] : memref<1024xi32, #tpu.memory_space<vmem>> -> memref<256xi32, #tpu.memory_space<vmem>>
    %dma_wait3A_44 = arith.constant 0 : i32
    %dma_wait3A_45 = arith.constant 0 : i32
    %dma_wait3A_46 = tpu.memref_slice %arg2[%dma_wait3A_44, %dma_wait3A_45] : memref<1024x128xf32, #tpu.memory_space<hbm>> -> memref<1024x128xf32, #tpu.memory_space<hbm>>
    tpu.wait_indirect_dma semaphore(%arg9 : memref<!tpu.dma_semaphore, #tpu.memory_space<semaphore_mem>>) src(%dma_wait3A_46 : memref<1024x128xf32, #tpu.memory_space<hbm>>) dst(%arg7 : memref<256x128xf32, #tpu.memory_space<vmem>>)
    %add3A_47 = arith.constant 768 : i32
    %add3A_48 = arith.addi %mul3A_2, %add3A_47 : i32
    "tpu.region"() ({
      %run_scoped3A = tpu.sem_alloc : memref<!tpu.dma_semaphore, #tpu.memory_space<semaphore_mem>>
      %dma_start3A_49 = arith.constant 0 : i32
      %dma_start3A_50 = tpu.memref_slice %arg4[%add3A_48, %dma_start3A_49] : memref<32768x128xf32, #tpu.memory_space<hbm>> -> memref<256x128xf32, #tpu.memory_space<hbm>>
      %dma_start3A_51 = arith.constant 0 : i32
      %dma_start3A_52 = tpu.memref_slice %arg4[%add3A_48, %dma_start3A_51] : memref<32768x128xf32, #tpu.memory_space<hbm>> -> memref<256x128xf32, #tpu.memory_space<hbm>>
      tpu.enqueue_dma source(%arg7 : memref<256x128xf32, #tpu.memory_space<vmem>>) target(%dma_start3A_52 : memref<256x128xf32, #tpu.memory_space<hbm>>) target_semaphore(%run_scoped3A : memref<!tpu.dma_semaphore, #tpu.memory_space<semaphore_mem>>)
      %dma_wait3A_53 = arith.constant 0 : i32
      %dma_wait3A_54 = tpu.memref_slice %arg4[%add3A_48, %dma_wait3A_53] : memref<32768x128xf32, #tpu.memory_space<hbm>> -> memref<256x128xf32, #tpu.memory_space<hbm>>
      %dma_wait3A_55 = arith.constant 0 : i32
      %dma_wait3A_56 = tpu.memref_slice %arg4[%add3A_48, %dma_wait3A_55] : memref<32768x128xf32, #tpu.memory_space<hbm>> -> memref<256x128xf32, #tpu.memory_space<hbm>>
      tpu.wait_dma2 semaphore(%run_scoped3A : memref<!tpu.dma_semaphore, #tpu.memory_space<semaphore_mem>>) src(%arg7 : memref<256x128xf32, #tpu.memory_space<vmem>>) dst(%dma_wait3A_56 : memref<256x128xf32, #tpu.memory_space<hbm>>)
      tpu.yield
    }) : () -> ()
    return
  }
}

module attributes {stable_mosaic.version = 14 : i64} {
  func.func @_vq_main(%arg0: i32, %arg1: memref<512x64xf32, #tpu.memory_space<vmem>>, %arg2: memref<1024x64xf32, #tpu.memory_space<vmem>>, %arg3: memref<1x1xf32, #tpu.memory_space<vmem>>, %arg4: memref<1x1xf32, #tpu.memory_space<vmem>>, %arg5: memref<512x1024xf32, #tpu.memory_space<vmem>>, %arg6: memref<512x1xi32, #tpu.memory_space<vmem>>, %arg7: memref<1024x128xf32, #tpu.memory_space<vmem>>, %arg8: memref<1x1024xf32, #tpu.memory_space<vmem>>, %arg9: memref<1x1xf32, #tpu.memory_space<vmem>>, %arg10: memref<1x1024xf32, #tpu.memory_space<vmem>>) attributes {dimension_semantics = [#tpu.dimension_semantics<arbitrary>], iteration_bounds = array<i64: 64>, scalar_prefetch = 0 : i64, scratch_operands = 3 : i64, tpu.core_type = #tpu.core_type<tc>, window_params = [{transform_indices = @transform_0, window_bounds = array<i64: 512, 64>}, {pipeline_mode = #tpu.pipeline_mode<synchronous>, transform_indices = @transform_1, window_bounds = array<i64: 1024, 64>}, {pipeline_mode = #tpu.pipeline_mode<synchronous>, transform_indices = @transform_2, window_bounds = array<i64: 1, 1>}, {pipeline_mode = #tpu.pipeline_mode<synchronous>, transform_indices = @transform_3, window_bounds = array<i64: 1, 1>}, {transform_indices = @transform_4, window_bounds = array<i64: 512, 1024>}, {transform_indices = @transform_5, window_bounds = array<i64: 512, 1>}, {pipeline_mode = #tpu.pipeline_mode<synchronous>, transform_indices = @transform_6, window_bounds = array<i64: 1024, 128>}]} {
    %get3A = arith.constant 0 : index
    %get3A_0 = arith.constant 0 : index
    %get3A_1 = vector.load %arg1[%get3A, %get3A_0] : memref<512x64xf32, #tpu.memory_space<vmem>>, vector<512x64xf32>
    %get3A_2 = arith.constant 0 : index
    %get3A_3 = arith.constant 0 : index
    %get3A_4 = vector.load %arg2[%get3A_2, %get3A_3] : memref<1024x64xf32, #tpu.memory_space<vmem>>, vector<1024x64xf32>
    %eq3A = arith.constant 0 : i32
    %eq3A_5 = arith.cmpi eq, %arg0, %eq3A : i32
    %convert_element_type3A = arith.extui %eq3A_5 : i1 to i32
    %cond3A = arith.constant 0 : i32
    %cond3A_6 = arith.cmpi ne, %convert_element_type3A, %cond3A : i32
    scf.if %cond3A_6 {
      %mul3A_58 = arith.mulf %get3A_4, %get3A_4 : vector<1024x64xf32>
      %reduce_sum3A_59 = arith.constant dense<0.000000e+00> : vector<1024xf32>
      %reduce_sum3A_60 = vector.multi_reduction <add>, %mul3A_58, %reduce_sum3A_59 [1] : vector<1024x64xf32> to vector<1024xf32>
      %broadcast_in_dim3A_61 = vector.shape_cast %reduce_sum3A_60 : vector<1024xf32> to vector<1024x1xf32>
      %transpose3A = tpu.transpose %broadcast_in_dim3A_61, [1, 0] : vector<1024x1xf32> -> vector<1x1024xf32>
      %swap3A_62 = arith.constant 0 : index
      %swap3A_63 = arith.constant 0 : index
      %swap3A_64 = vector.load %arg10[%swap3A_62, %swap3A_63] : memref<1x1024xf32, #tpu.memory_space<vmem>>, vector<1x1024xf32>
      tpu.vector_store %arg10[%swap3A_62, %swap3A_63], %transpose3A {strides = array<i32>} : memref<1x1024xf32, #tpu.memory_space<vmem>>, vector<1x1024xf32>,
      %broadcast_in_dim3A_65 = arith.constant 0.000000e+00 : f32
      %broadcast_in_dim3A_66 = vector.broadcast %broadcast_in_dim3A_65 : f32 to vector<1024x64xf32>
      %concatenate3A = tpu.concatenate %get3A_4, %broadcast_in_dim3A_66 in 1 : vector<1024x64xf32>, vector<1024x64xf32> -> vector<1024x128xf32>
      %swap3A_67 = arith.constant 0 : index
      %swap3A_68 = arith.constant 0 : index
      %swap3A_69 = vector.load %arg7[%swap3A_67, %swap3A_68] : memref<1024x128xf32, #tpu.memory_space<vmem>>, vector<1024x128xf32>
      tpu.vector_store %arg7[%swap3A_67, %swap3A_68], %concatenate3A {strides = array<i32>} : memref<1024x128xf32, #tpu.memory_space<vmem>>, vector<1024x128xf32>,
    } else {
    }
    %mul3A = arith.mulf %get3A_1, %get3A_1 : vector<512x64xf32>
    %reduce_sum3A = arith.constant dense<0.000000e+00> : vector<512xf32>
    %reduce_sum3A_7 = vector.multi_reduction <add>, %mul3A, %reduce_sum3A [1] : vector<512x64xf32> to vector<512xf32>
    %broadcast_in_dim3A = vector.shape_cast %reduce_sum3A_7 : vector<512xf32> to vector<512x1xf32>
    %mul3A_8 = arith.constant -2.000000e+00 : f32
    %mul3A_9 = vector.broadcast %mul3A_8 : f32 to vector<512x64xf32>
    %mul3A_10 = arith.mulf %get3A_1, %mul3A_9 : vector<512x64xf32>
    %dot_general3A = arith.constant dense<0.000000e+00> : vector<512x1024xf32>
    %dot_general3A_11 = tpu.matmul %mul3A_10, %get3A_4, %dot_general3A {dimension_numbers = #tpu.dot_dimension_numbers<[1], [1], [0], [0], [0, 0, 1, 0], [], []>, transpose_lhs_hint = false} : vector<512x64xf32>, vector<1024x64xf32>, vector<512x1024xf32> -> vector<512x1024xf32>
    %add3A = vector.broadcast %broadcast_in_dim3A : vector<512x1xf32> to vector<512x1024xf32>
    %add3A_12 = arith.addf %add3A, %dot_general3A_11 : vector<512x1024xf32>
    %get3A_13 = arith.constant 0 : index
    %get3A_14 = arith.constant 0 : index
    %get3A_15 = vector.load %arg10[%get3A_13, %get3A_14] : memref<1x1024xf32, #tpu.memory_space<vmem>>, vector<1x1024xf32>
    %add3A_16 = vector.broadcast %get3A_15 : vector<1x1024xf32> to vector<512x1024xf32>
    %add3A_17 = arith.addf %add3A_12, %add3A_16 : vector<512x1024xf32>
    %reduce_min3A = arith.constant dense<0x7F800000> : vector<512xf32>
    %reduce_min3A_18 = vector.multi_reduction <minimumf>, %add3A_17, %reduce_min3A [1] : vector<512x1024xf32> to vector<512xf32>
    %broadcast_in_dim3A_19 = vector.shape_cast %reduce_min3A_18 : vector<512xf32> to vector<512x1xf32>
    %iota3A = tpu.iota {dimensions = array<i32: 1>} : vector<512x1024xi32>
    %eq3A_20 = vector.broadcast %broadcast_in_dim3A_19 : vector<512x1xf32> to vector<512x1024xf32>
    %eq3A_21 = arith.cmpf oeq, %add3A_17, %eq3A_20 : vector<512x1024xf32>
    %jit3A = arith.constant 1024 : i32
    %broadcast_in_dim3A_22 = vector.broadcast %jit3A : i32 to vector<512x1024xi32>
    %select_n3A = arith.select %eq3A_21, %iota3A, %broadcast_in_dim3A_22 : vector<512x1024xi1>, vector<512x1024xi32>
    %reduce_min3A_23 = arith.constant dense<2147483647> : vector<512xi32>
    %reduce_min3A_24 = vector.multi_reduction <minsi>, %select_n3A, %reduce_min3A_23 [1] : vector<512x1024xi32> to vector<512xi32>
    %broadcast_in_dim3A_25 = vector.shape_cast %reduce_min3A_24 : vector<512xi32> to vector<512x1xi32>
    %eq3A_26 = vector.broadcast %broadcast_in_dim3A_25 : vector<512x1xi32> to vector<512x1024xi32>
    %eq3A_27 = arith.cmpi eq, %iota3A, %eq3A_26 : vector<512x1024xi32>
    %convert_element_type3A_28 = arith.extui %eq3A_27 : vector<512x1024xi1> to vector<512x1024xi32>
    %convert_element_type3A_29 = arith.sitofp %convert_element_type3A_28 : vector<512x1024xi32> to vector<512x1024xf32>
    %swap3A = arith.constant 0 : index
    %swap3A_30 = arith.constant 0 : index
    %swap3A_31 = vector.load %arg5[%swap3A, %swap3A_30] : memref<512x1024xf32, #tpu.memory_space<vmem>>, vector<512x1024xf32>
    tpu.vector_store %arg5[%swap3A, %swap3A_30], %convert_element_type3A_29 {strides = array<i32>} : memref<512x1024xf32, #tpu.memory_space<vmem>>, vector<512x1024xf32>,
    %swap3A_32 = arith.constant 0 : index
    %swap3A_33 = arith.constant 0 : index
    %swap3A_34 = vector.load %arg6[%swap3A_32, %swap3A_33] : memref<512x1xi32, #tpu.memory_space<vmem>>, vector<512x1xi32>
    tpu.vector_store %arg6[%swap3A_32, %swap3A_33], %broadcast_in_dim3A_25 {strides = array<i32>} : memref<512x1xi32, #tpu.memory_space<vmem>>, vector<512x1xi32>,
    %broadcast_in_dim3A_35 = arith.constant 1.000000e+00 : f32
    %broadcast_in_dim3A_36 = vector.broadcast %broadcast_in_dim3A_35 : f32 to vector<1x512xf32>
    %dot_general3A_37 = arith.constant dense<0.000000e+00> : vector<1x1024xf32>
    %dot_general3A_38 = tpu.matmul %broadcast_in_dim3A_36, %convert_element_type3A_29, %dot_general3A_37 {dimension_numbers = #tpu.dot_dimension_numbers<[1], [0], [0], [1], [0, 0, 1, 1], [], []>, transpose_lhs_hint = false} : vector<1x512xf32>, vector<512x1024xf32>, vector<1x1024xf32> -> vector<1x1024xf32>
    %reduce_sum3A_39 = vector.shape_cast %broadcast_in_dim3A_19 : vector<512x1xf32> to vector<1x512x1xf32>
    %reduce_sum3A_40 = arith.constant dense<0.000000e+00> : vector<1xf32>
    %reduce_sum3A_41 = vector.multi_reduction <add>, %reduce_sum3A_39, %reduce_sum3A_40 [1, 2] : vector<1x512x1xf32> to vector<1xf32>
    %reduce_sum3A_42 = vector.shape_cast %reduce_sum3A_41 : vector<1xf32> to vector<1x1x1xf32>
    %reduce_sum3A_43 = vector.extract %reduce_sum3A_42[0, 0, 0] : f32 from vector<1x1x1xf32>
    %reshape3A = vector.broadcast %reduce_sum3A_43 : f32 to vector<1x1xf32>
    %eq3A_44 = arith.constant 0 : i32
    %eq3A_45 = arith.cmpi eq, %arg0, %eq3A_44 : i32
    %convert_element_type3A_46 = arith.extui %eq3A_45 : i1 to i32
    %cond3A_47 = arith.constant 0 : i32
    %cond3A_48 = arith.cmpi ne, %convert_element_type3A_46, %cond3A_47 : i32
    scf.if %cond3A_48 {
      %swap3A_58 = arith.constant 0 : index
      %swap3A_59 = arith.constant 0 : index
      %swap3A_60 = vector.load %arg8[%swap3A_58, %swap3A_59] : memref<1x1024xf32, #tpu.memory_space<vmem>>, vector<1x1024xf32>
      tpu.vector_store %arg8[%swap3A_58, %swap3A_59], %dot_general3A_38 {strides = array<i32>} : memref<1x1024xf32, #tpu.memory_space<vmem>>, vector<1x1024xf32>,
      %swap3A_61 = arith.constant 0 : index
      %swap3A_62 = arith.constant 0 : index
      %swap3A_63 = vector.load %arg9[%swap3A_61, %swap3A_62] : memref<1x1xf32, #tpu.memory_space<vmem>>, vector<1x1xf32>
      tpu.vector_store %arg9[%swap3A_61, %swap3A_62], %reshape3A {strides = array<i32>} : memref<1x1xf32, #tpu.memory_space<vmem>>, vector<1x1xf32>,
    } else {
    }
    %ne3A = arith.constant 0 : i32
    %ne3A_49 = arith.cmpi ne, %arg0, %ne3A : i32
    %convert_element_type3A_50 = arith.extui %ne3A_49 : i1 to i32
    %cond3A_51 = arith.constant 0 : i32
    %cond3A_52 = arith.cmpi ne, %convert_element_type3A_50, %cond3A_51 : i32
    scf.if %cond3A_52 {
      %get3A_58 = arith.constant 0 : index
      %get3A_59 = arith.constant 0 : index
      %get3A_60 = vector.load %arg8[%get3A_58, %get3A_59] : memref<1x1024xf32, #tpu.memory_space<vmem>>, vector<1x1024xf32>
      %add3A_61 = arith.addf %get3A_60, %dot_general3A_38 : vector<1x1024xf32>
      %swap3A_62 = arith.constant 0 : index
      %swap3A_63 = arith.constant 0 : index
      %swap3A_64 = vector.load %arg8[%swap3A_62, %swap3A_63] : memref<1x1024xf32, #tpu.memory_space<vmem>>, vector<1x1024xf32>
      tpu.vector_store %arg8[%swap3A_62, %swap3A_63], %add3A_61 {strides = array<i32>} : memref<1x1024xf32, #tpu.memory_space<vmem>>, vector<1x1024xf32>,
      %get3A_65 = arith.constant 0 : index
      %get3A_66 = arith.constant 0 : index
      %get3A_67 = vector.load %arg9[%get3A_65, %get3A_66] : memref<1x1xf32, #tpu.memory_space<vmem>>, vector<1x1xf32>
      %add3A_68 = arith.addf %get3A_67, %reshape3A : vector<1x1xf32>
      %swap3A_69 = arith.constant 0 : index
      %swap3A_70 = arith.constant 0 : index
      %swap3A_71 = vector.load %arg9[%swap3A_69, %swap3A_70] : memref<1x1xf32, #tpu.memory_space<vmem>>, vector<1x1xf32>
      tpu.vector_store %arg9[%swap3A_69, %swap3A_70], %add3A_68 {strides = array<i32>} : memref<1x1xf32, #tpu.memory_space<vmem>>, vector<1x1xf32>,
    } else {
    }
    %eq3A_53 = arith.constant 63 : i32
    %eq3A_54 = arith.cmpi eq, %arg0, %eq3A_53 : i32
    %convert_element_type3A_55 = arith.extui %eq3A_54 : i1 to i32
    %cond3A_56 = arith.constant 0 : i32
    %cond3A_57 = arith.cmpi ne, %convert_element_type3A_55, %cond3A_56 : i32
    scf.if %cond3A_57 {
      %get3A_58 = arith.constant 0 : index
      %get3A_59 = arith.constant 0 : index
      %get3A_60 = vector.load %arg9[%get3A_58, %get3A_59] : memref<1x1xf32, #tpu.memory_space<vmem>>, vector<1x1xf32>
      %mul3A_61 = arith.constant 5.96046448E-7 : f32
      %mul3A_62 = vector.broadcast %mul3A_61 : f32 to vector<1x1xf32>
      %mul3A_63 = arith.mulf %get3A_60, %mul3A_62 : vector<1x1xf32>
      %swap3A_64 = arith.constant 0 : index
      %swap3A_65 = arith.constant 0 : index
      %swap3A_66 = vector.load %arg3[%swap3A_64, %swap3A_65] : memref<1x1xf32, #tpu.memory_space<vmem>>, vector<1x1xf32>
      tpu.vector_store %arg3[%swap3A_64, %swap3A_65], %mul3A_63 {strides = array<i32>} : memref<1x1xf32, #tpu.memory_space<vmem>>, vector<1x1xf32>,
      %get3A_67 = arith.constant 0 : index
      %get3A_68 = arith.constant 0 : index
      %get3A_69 = vector.load %arg8[%get3A_67, %get3A_68] : memref<1x1024xf32, #tpu.memory_space<vmem>>, vector<1x1024xf32>
      %div3A = arith.constant 3.276800e+04 : f32
      %div3A_70 = vector.broadcast %div3A : f32 to vector<1x1024xf32>
      %div3A_71 = arith.divf %get3A_69, %div3A_70 : vector<1x1024xf32>
      %add3A_72 = arith.constant 1.000000e-10 : f32
      %add3A_73 = vector.broadcast %add3A_72 : f32 to vector<1x1024xf32>
      %add3A_74 = arith.addf %div3A_71, %add3A_73 : vector<1x1024xf32>
      %log3A = math.log %add3A_74 : vector<1x1024xf32>
      %mul3A_75 = arith.mulf %div3A_71, %log3A : vector<1x1024xf32>
      %reduce_sum3A_76 = vector.shape_cast %mul3A_75 : vector<1x1024xf32> to vector<1x1x1024xf32>
      %reduce_sum3A_77 = arith.constant dense<0.000000e+00> : vector<1xf32>
      %reduce_sum3A_78 = vector.multi_reduction <add>, %reduce_sum3A_76, %reduce_sum3A_77 [1, 2] : vector<1x1x1024xf32> to vector<1xf32>
      %reduce_sum3A_79 = vector.shape_cast %reduce_sum3A_78 : vector<1xf32> to vector<1x1x1xf32>
      %reduce_sum3A_80 = vector.extract %reduce_sum3A_79[0, 0, 0] : f32 from vector<1x1x1xf32>
      %neg3A = arith.constant 0.000000e+00 : f32
      %neg3A_81 = arith.subf %neg3A, %reduce_sum3A_80 : f32
      %exp3A = math.exp %neg3A_81 : f32
      %reshape3A_82 = vector.broadcast %exp3A : f32 to vector<1x1xf32>
      %swap3A_83 = arith.constant 0 : index
      %swap3A_84 = arith.constant 0 : index
      %swap3A_85 = vector.load %arg4[%swap3A_83, %swap3A_84] : memref<1x1xf32, #tpu.memory_space<vmem>>, vector<1x1xf32>
      tpu.vector_store %arg4[%swap3A_83, %swap3A_84], %reshape3A_82 {strides = array<i32>} : memref<1x1xf32, #tpu.memory_space<vmem>>, vector<1x1xf32>,
    } else {
    }
    return
  }
  func.func @transform_0(%arg0: i32) -> (i32, i32) {
    %c0_i32 = arith.constant 0 : i32
    %c0_i32_0 = arith.constant 0 : i32
    return %arg0, %c0_i32 : i32, i32
  }
  func.func @transform_1(%arg0: i32) -> (i32, i32) {
    %c0_i32 = arith.constant 0 : i32
    %c0_i32_0 = arith.constant 0 : i32
    %c0_i32_1 = arith.constant 0 : i32
    return %c0_i32, %c0_i32_0 : i32, i32
  }
  func.func @transform_2(%arg0: i32) -> (i32, i32) {
    %c0_i32 = arith.constant 0 : i32
    %c0_i32_0 = arith.constant 0 : i32
    %c0_i32_1 = arith.constant 0 : i32
    return %c0_i32, %c0_i32_0 : i32, i32
  }
  func.func @transform_3(%arg0: i32) -> (i32, i32) {
    %c0_i32 = arith.constant 0 : i32
    %c0_i32_0 = arith.constant 0 : i32
    %c0_i32_1 = arith.constant 0 : i32
    return %c0_i32, %c0_i32_0 : i32, i32
  }
  func.func @transform_4(%arg0: i32) -> (i32, i32) {
    %c0_i32 = arith.constant 0 : i32
    %c0_i32_0 = arith.constant 0 : i32
    return %arg0, %c0_i32 : i32, i32
  }
  func.func @transform_5(%arg0: i32) -> (i32, i32) {
    %c0_i32 = arith.constant 0 : i32
    %c0_i32_0 = arith.constant 0 : i32
    return %arg0, %c0_i32 : i32, i32
  }
  func.func @transform_6(%arg0: i32) -> (i32, i32) {
    %c0_i32 = arith.constant 0 : i32
    %c0_i32_0 = arith.constant 0 : i32
    %c0_i32_1 = arith.constant 0 : i32
    return %c0_i32, %c0_i32_0 : i32, i32
  }
}

</mosaic_0001>

<sc_bundles>
// kernel: kernel.4.cloned.1.call-start
scs
__scs_entry_jumppad:
0x0: {  	(pc) =	sbr.rel $0x88, $3  }
0x1: {  	(tag) =	ssettag $0x0;
	lr =	simm.s32 $0x1  }
0x2: {  	[smem:$0x3F9F] =	sst lr;
	_ =	strace $0xD0000000  }
0x3: {  	_ = 	snop  }
0x4: {  	_ = 	snop  }
0x5: {  	_ = 	snop  }
0x6: {  	_ = 	snop  }
0x7: {  	_ = 	snop  }
__scs_overlays_trampoline_lowered:
0x8: {  	[smem:$0x3FAE] =	sst s0  }
0x9: {  	[smem:$0x3FAF] =	sst s1  }
0xa: {  	[smem:$0x3FB0] =	sst s2  }
0xb: {  	[smem:$0x3FB1] =	sst s3  }
0xc: {  	[smem:$0x3FB2] =	sst s4  }
0xd: {  	[smem:$0x3FB3] =	sst s5  }
0xe: {  	[smem:$0x3FB4] =	sst s6  }
0xf: {  	[smem:$0x3FB5] =	sst s7  }
0x10: {  	[smem:$0x3FB6] =	sst s8  }
0x11: {  	[smem:$0x3FB7] =	sst s9;
	s0 =	simm.s32 @!p0 $0x0  }
0x12: {  	s1 =	sld [smem:$0x3F9D];
	s0 =	simm.s32 @p0 $0x1  }
0x13: {  	[smem:$0x3FB8] =	sst s0;
	s0 =	simm.s32 @!p1 $0x0  }
0x14: {  	s2 =	sld [smem:$0x3F9C];
	s0 =	simm.s32 @p1 $0x1  }
0x15: {  	[smem:$0x3FB9] =	sst s0;
	s0 =	simm.s32 @!p2 $0x0  }
0x16: {  	s3 =	sld [smem:$0x3FDB];
	s0 =	simm.s32 @p2 $0x1  }
0x17: {  	s4 =	simm.s32 $0x1BF5;
	[smem:$0x3FBB] =	sst s0  }
0x18: {  	s0 =	sld [smem:$0x3F9E];
	_ =	swait.ge [sflag:s4], $0x0  }
0x19: {  	s7 =	sld [smem:$0x3F9F]  }
0x1a: {  	s8 =	sadd.s32 $0xFFFFE003, lr  }
0x1b: {  	s9 =	sadd.s32 $0xFFFFFEF7, lr;
	s5 =	simm.s32 $0xFFFFFFFF;
	p2 =	slt.u32 s8, $0xFFFFF086  }
0x1c: {  	p1 =	slt.u32 s9, $0xF7A;
	s5 =	simm.s32 @!p2 $0x0  }
0x1d: {  	s5 =	simm.s32 @p1 $0x1;
	p0 =	seq.s32 s7, s2  }
0x1e: {  	s7 =	smul.u32 @!p0 $0xF7A, s2;
	p2 =	seq.s32 @!p0 s5, $0x0  }
0x1f: {  	s9 =	smul.u32 $0xF7A, s1;
	s8 =	simm.s32 @!p0 $0x1BF5;
	p2 =	por !p2, p0  }
0x20: {  	[sflag:s8] =	ssyncset.s32 @!p0 $0xFFFFF086;
	s6 =	sadd.s32 @!p0 s3, s7;
	s7 =	simm.s32 @!p0 $0x108  }
0x21: {  	s3 =	sadd.s32 s3, s9;
	s6 =	sadd.s32 @!p0 $0x88, s6;
	s7 =	simm.s32 @p2 $0x1082  }
0x22: {  	[simem:s7], [sflag:s8] =	dma.local @!p0 [hbm:s6], $0xF7A  }
0x23: {  	s9 =	sor.u32 $0xD0000000, s2;
	s6 =	simm.s32 $0x108;
	_ =	swait.ge @!p0 [sflag:s8], $0x0  }
0x24: {  	s3 =	sadd.s32 $0x88, s3;
	s6 =	simm.s32 @!p1 $0x1082;
	[sflag:s4] =	ssyncset.s32 $0xFFFFF086  }
0x25: {  	[simem:s6], [sflag:s4] =	dma.local [hbm:s3], $0xF7A  }
0x26: {  	[smem:$0x3F9F] =	sst s1;
	(tag) =	ssettag s2;
	_ =	strace s9  }
0x27: {  	s1 =	sld [smem:$0x3FAF]  }
0x28: {  	s2 =	sld [smem:$0x3FB0]  }
0x29: {  	s4 =	sld [smem:$0x3FB2]  }
0x2a: {  	p0 =	seq.s32 s5, $0x0;
	s5 =	sld [smem:$0x3FB3]  }
0x2b: {  	s6 =	sld [smem:$0x3FB4]  }
0x2c: {  	s7 =	sld [smem:$0x3FB5]  }
0x2d: {  	s3 =	simm.s32 $0x108;
	s8 =	sld [smem:$0x3FB6]  }
0x2e: {  	s3 =	simm.s32 @!p0 $0x1082;
	s9 =	sld [smem:$0x3FB7]  }
0x2f: {  	lr =	sadd.s32 s0, s3;
	s0 =	sld [smem:$0x3FAE]  }
0x30: {  	s3 =	sld [smem:$0x3FB1]  }
0x31: {  	[smem:$0x3FBA] =	sst s10  }
0x32: {  	s10 =	sld [smem:$0x3FB8];
	_ =	sdelay $0x3  }
0x33: {  	p0 =	seq.s32 s10, $0x1;
	s10 =	sld [smem:$0x3FBA];
	_ =	sdelay $0x3  }
0x34: {  	[smem:$0x3FBA] =	sst s10  }
0x35: {  	s10 =	sld [smem:$0x3FB9];
	_ =	sdelay $0x3  }
0x36: {  	p1 =	seq.s32 s10, $0x1;
	s10 =	sld [smem:$0x3FBA];
	_ =	sdelay $0x3  }
0x37: {  	[smem:$0x3FBA] =	sst s10  }
0x38: {  	s10 =	sld [smem:$0x3FBB]  }
0x39: {  	_ = 	snop;
	(pc) =	sbr.ind lr, $3  }
0x3a: {  	_ = 	snop  }
0x3b: {  	_ = 	snop  }
0x3c: {  	p2 =	seq.s32 s10, $0x1;
	s10 =	sld [smem:$0x3FBA]  }
0x3d: {  	_ =	shalt  }
0x3e: {  	_ =	shalt  }
0x3f: {  	_ =	shalt  }
0x40: {  	_ =	shalt  }
0x41: {  	_ =	shalt  }
0x42: {  	_ =	shalt  }
0x43: {  	_ =	shalt  }
0x44: {  	_ =	shalt  }
0x45: {  	_ =	shalt  }
0x46: {  	_ =	shalt  }
0x47: {  	_ =	shalt  }
0x48: {  	_ =	shalt  }
0x49: {  	_ =	shalt  }
0x4a: {  	_ =	shalt  }
0x4b: {  	_ =	shalt  }
0x4c: {  	_ =	shalt  }
0x4d: {  	_ =	shalt  }
0x4e: {  	_ =	shalt  }
0x4f: {  	_ =	shalt  }
0x50: {  	_ =	shalt  }
0x51: {  	_ =	shalt  }
0x52: {  	_ =	shalt  }
0x53: {  	_ =	shalt  }
0x54: {  	_ =	shalt  }
0x55: {  	_ =	shalt  }
0x56: {  	_ =	shalt  }
0x57: {  	_ =	shalt  }
0x58: {  	_ =	shalt  }
0x59: {  	_ =	shalt  }
0x5a: {  	_ =	shalt  }
0x5b: {  	_ =	shalt  }
0x5c: {  	_ =	shalt  }
0x5d: {  	_ =	shalt  }
0x5e: {  	_ =	shalt  }
0x5f: {  	_ =	shalt  }
0x60: {  	_ =	shalt  }
0x61: {  	_ =	shalt  }
0x62: {  	_ =	shalt  }
0x63: {  	_ =	shalt  }
0x64: {  	_ =	shalt  }
0x65: {  	_ =	shalt  }
0x66: {  	_ =	shalt  }
0x67: {  	_ =	shalt  }
0x68: {  	_ =	shalt  }
0x69: {  	_ =	shalt  }
0x6a: {  	_ =	shalt  }
0x6b: {  	_ =	shalt  }
0x6c: {  	_ =	shalt  }
0x6d: {  	_ =	shalt  }
0x6e: {  	_ =	shalt  }
0x6f: {  	_ =	shalt  }
0x70: {  	_ =	shalt  }
0x71: {  	_ =	shalt  }
0x72: {  	_ =	shalt  }
0x73: {  	_ =	shalt  }
0x74: {  	_ =	shalt  }
0x75: {  	_ =	shalt  }
0x76: {  	_ =	shalt  }
0x77: {  	_ =	shalt  }
0x78: {  	_ =	shalt  }
0x79: {  	_ =	shalt  }
0x7a: {  	_ =	shalt  }
0x7b: {  	_ =	shalt  }
0x7c: {  	_ =	shalt  }
0x7d: {  	_ =	shalt  }
0x7e: {  	_ =	shalt  }
0x7f: {  	_ =	shalt  }
0x80: {  	_ =	shalt  }
0x81: {  	_ =	shalt  }
0x82: {  	_ =	shalt  }
0x83: {  	_ =	shalt  }
0x84: {  	_ =	shalt  }
0x85: {  	_ =	shalt  }
0x86: {  	_ =	shalt  }
0x87: {  	_ =	shalt  }
.Lfunc_end0:
.L_simem_size_0:
called_computation_lowered:
.L_overlay_start_0:
0x88: {  	s2 =	sld [smem:$0x3FD9]  }
0x89: {  	s3 =	sld [smem:$0x3FFE];
	_ =	sdelay $0x1  }
0x8a: {  	s1 =	srdreg.scid  }
0x8b: {  	s0 =	sand.u32 $0x1, s1  }
0x8c: {  	s14 =	sshll.u32 s0, $0xA;
	s2 =	sadd.s32 s3, s2  }
0x8d: {  	s2 =	sadd.s32 s2, s14  }
0x8e: {  	[smem:$0x3FC6] =	sst s2  }
0x8f: {  	_ = 	snop  }
0x90: {  	s2 =	sld [smem:$0x3FD0];
	_ =	sdelay $0x2  }
0x91: {  	s15 =	simm.s32 $0xA;
	s4 =	simm.s32 $0x10  }
0x92: {  	[smem:s4], [sflag:s15] =	dma.local [hbm:s2], $0x1  }
0x93: {  	_ =	swait.eq [sflag:s15], $0x1  }
0x94: {  	[sflag:s15] =	ssyncset.done $0x0  }
0x95: {  	[sflag:s15] =	ssyncadd.s32 $0xFFFFFFFF  }
0x96: {  	s16 =	sld [smem:$0x11];
	(tm) =	ssettm $0x1  }
0x97: {  	s17 =	sld [smem:$0x3FFB];
	_ =	sdelay $0x3  }
0x98: {  	_ =	strace s17  }
0x99: {  	s3 =	sld [smem:$0x3FFC];
	_ =	sdelay $0x3  }
0x9a: {  	_ =	strace s3  }
0x9b: {  	s3 =	sld [smem:$0x3FFD];
	_ =	sdelay $0x3  }
0x9c: {  	_ =	strace s3  }
0x9d: {  	_ =	strace $0x8FFFFFFF  }
0x9e: {  	s18 =	sld [smem:$0x3FDB];
	_ =	sdelay $0x1  }
0x9f: {  	s19 =	simm.s32 $_scs_section_size  }
0xa0: {  	s5 =	simm.s32 $_size__tile_overlayer_lowered;
	s6 =	simm.s32 $_tile_overlayer_lowered  }
0xa1: {  	s22 =	simm.s32 $0x1BFF;
	s21 =	sshll.u32 s6, $0x1;
	s3 =	sadd.s32 s19, s18  }
0xa2: {  	s7 =	simm.s32 $0x0;
	s20 =	sshll.u32 s5, $0x1;
	s5 =	sadd.s32 s21, s3  }
0xa3: {  	[timem:s7], [sflag:s22] =	dma.local [hbm:s5], s20  }
0xa4: {  	_ =	swait.ge [sflag:s22], s20  }
0xa5: {  	s4 =	ssub.s32 $0x0, s20;
	[sflag:s22] =	ssyncset.done $0x0  }
0xa6: {  	[sflag:s22] =	ssyncadd.s32 s4;
	_ =	sdelay $0x1  }
0xa7: {  	s23 =	simm.s32 $0x1B8B  }
0xa8: {  	_ =	swait.ge [sflag:s23], $0x1  }
0xa9: {  	[sflag:s23] =	ssyncset.done $0x0  }
0xaa: {  	s25 =	simm.s32 $0x1B8E;
	s24 =	sld [smem:$0x3FFE];
	[sflag:s23] =	ssyncadd.s32 $0xFFFFFFFF  }
0xab: {  	s26 =	simm.s32 $execute0_lowered;
	[smem:$0x3FD2] =	sst s25  }
0xac: {  	s5 =	sshll.u32 s26, $0x1;
	_ =	strace $0x80000046;
	[dreg:$0x1] =	wrdreg $0xFFFFFFFF  }
0xad: {  	s28 =	simm.s32 $_size_execute0_lowered;
	s3 =	sadd.s32 s3, s5;
	[dreg:$0x0] =	wrdreg $0x0  }
0xae: {  	s5 =	sshll.u32 s28, $0x1;
	[dreg:$0x2] =	wrdreg s3  }
0xaf: {  	[dreg:$0x3] =	wrdreg s5  }
0xb0: {  	[dreg:$0x4] =	wrdreg $0xC0  }
0xb1: {  	_ =	task [dreg:s7], $0x5FFFF  }
0xb2: {  	[dreg:$0x1] =	wrdreg $0xFFFFFFFF  }
0xb3: {  	[dreg:$0x0] =	wrdreg $0x60  }
0xb4: {  	[dreg:$0x2] =	wrdreg s16  }
0xb5: {  	[dreg:$0x3] =	wrdreg s24  }
0xb6: {  	[dreg:$0x4] =	wrdreg $0x9  }
0xb7: {  	_ =	task.clear_ibuf [dreg:s7], $0x5FFFF;
	_ =	strace $0x90000046  }
0xb8: {  	s29 =	simm.s32 $0x9;
	_ =	strace $0x80000048  }
0xb9: {  	_ =	swait.ge [sflag:s29], $0x1  }
0xba: {  	[sflag:s29] =	ssyncadd.s32 $0xFFFFFFFF  }
0xbb: {  	_ =	strace $0x90000048  }
0xbc: {  	_ =	sfence  }
0xbd: {  	s30 =	sld [smem:$0x0];
	_ =	sdelay $0x2  }
0xbe: {  	s31 =	sshll.u32 s1, $0xD;
	s1 =	sshrl.u32 s1, $0x2  }
0xbf: {  	s3 =	sand.u32 $0x4000, s31;
	s1 =	sadd.s32 s1, s30  }
0xc0: {  	s0 =	sor.u32 s3, s0;
	s1 =	sshll.u32 s1, $0x11  }
0xc1: {  	s0 =	sor.u32 s1, s0  }
0xc2: {  	s0 =	sadd.s32 $0x8F2B, s0  }
0xc3: {  	[sflag:s0] =	ssyncadd.remote.s32 $0x1  }
0xc4: {  	_ =	sfence.sel $0xFFFF  }
0xc5: {  	[dreg:$0x0] =	wrdreg $0xFFFFFFFF;
	(pc) =	sbr.abs _section_cstart, $3  }
0xc6: {  	[dreg:$0x1] =	wrdreg $0xFFFFFFFF  }
0xc7: {  	_ =	task.clear_ibuf [dreg:s7], $0x2FFFF;
	_ =	strace $0x9FFFFFFF  }
0xc8: {  	(tm) =	ssettm $0x7FFFFFFF  }
0xc9: {  	_ =	shalt  }
tec
execute0_lowered:
.L_overlay_start_1:
0x0: {  	(tag) =	ssettag $0x1  }
0x1: {  	s1 =	srdreg.scid  }
0x2: {  	s0 =	stileid.u32;
	s16 =	sand.u32 $0x1, s1  }
0x3: {  	s2 =	rddreg [dreg:$0x0];
	s30 =	sshll.u32 s0, $0xB;
	s3 =	sshll.u32 s16, $0xA  }
0x4: {  	s10 =	rddreg [dreg:$0x1];
	s11 =	sor.u32 s3, s30  }
0x5: {  	s1 =	rddreg [dreg:$0x2];
	s3 =	simm.s32 $0x0;
	s4 =	sshrl.u32 s11, $0x3  }
0x6: {  	[smem:$0x7FF] =	sst s3;
	s4 =	sadd.s32 s4, s10  }
0x7: {  	_ =	strace $0x80000047;
	s5 =	sadd.s32 $0x400, s4;
	s4 =	simm.s32 $0x3  }
0x8: {  	[tilespmem:s3], [sflag:$0x3] =	stream.linear.gather [hbm4b:s5+s3], $0x400, $0x38;
	[tilespmem:$0x10400] =	vst v63  }
0x9: {  	_ =	swait.ge [sflag:s4], $0x400  }
0xa: {  	[sflag:s4] =	ssyncset.done $0x0  }
0xb: {  	s6 =	simm.s32 $0x100;
	s7 =	simm.s32 $0x400;
	[sflag:s4] =	ssyncadd.s32 $0xFFFFFC00  }
0xc: {  	[tilespmem:s7], [sflag:$0x1] =	stream.indirect.gather [hbm4b:s2+s6], $0x80, s3, s6, $0xb8;
	[tilespmem:$0x10400] =	vst v63  }
0xd: {  	s8 =	simm.s32 $0x8400;
	s9 =	simm.s32 $0x1  }
0xe: {  	[tilespmem:s8], [sflag:$0x2] =	stream.indirect.gather [hbm4b:s2+s6], $0x80, s6, s6, $0xb8;
	[tilespmem:$0x10400] =	vst v63  }
0xf: {  	s11 =	sshll.u32 s11, $0x4;
	_ =	swait.ge [sflag:s9], $0x8000  }
0x10: {  	s17 =	sadd.s32 s11, s10;
	[sflag:s9] =	ssyncset.done $0x0  }
0x11: {  	s10 =	sadd.s32 $0x1400, s17;
	[sflag:s9] =	ssyncadd.s32 $0xFFFF8000  }
0x12: {  	[hbm4b:s10+s3] =	stream.linear.scatter [tilespmem:s7], [sflag:$0x3], $0x8000, $0x38;
	[tilespmem:$0x10400] =	vst v63  }
0x13: {  	_ =	swait.ge [sflag:s4], $0x8000  }
0x14: {  	[sflag:s4] =	ssyncset.done $0x0  }
0x15: {  	s12 =	simm.s32 $0x2;
	s11 =	simm.s32 $0x200;
	[sflag:s4] =	ssyncadd.s32 $0xFFFF8000  }
0x16: {  	[tilespmem:s7], [sflag:$0x1] =	stream.indirect.gather [hbm4b:s2+s6], $0x80, s11, s6, $0xb8;
	[tilespmem:$0x10400] =	vst v63  }
0x17: {  	_ =	swait.ge [sflag:s12], $0x8000  }
0x18: {  	[sflag:s12] =	ssyncset.done $0x0  }
0x19: {  	s13 =	sadd.s32 $0x2400, s17;
	[sflag:s12] =	ssyncadd.s32 $0xFFFF8000  }
0x1a: {  	[hbm4b:s13+s3] =	stream.linear.scatter [tilespmem:s8], [sflag:$0x3], $0x8000, $0x38;
	[tilespmem:$0x10400] =	vst v63  }
0x1b: {  	_ =	swait.ge [sflag:s4], $0x8000  }
0x1c: {  	[sflag:s4] =	ssyncset.done $0x0  }
0x1d: {  	s14 =	simm.s32 $0x300;
	[sflag:s4] =	ssyncadd.s32 $0xFFFF8000  }
0x1e: {  	[tilespmem:s8], [sflag:$0x2] =	stream.indirect.gather [hbm4b:s2+s6], $0x80, s14, s6, $0xb8;
	[tilespmem:$0x10400] =	vst v63  }
0x1f: {  	_ =	swait.ge [sflag:s9], $0x8000  }
0x20: {  	[sflag:s9] =	ssyncset.done $0x0  }
0x21: {  	s16 =	ssub.s32 $0x2, s16;
	s15 =	sadd.s32 $0x3400, s17;
	[sflag:s9] =	ssyncadd.s32 $0xFFFF8000  }
0x22: {  	[hbm4b:s15+s3] =	stream.linear.scatter [tilespmem:s7], [sflag:$0x3], $0x8000, $0x38;
	[tilespmem:$0x10400] =	vst v63  }
0x23: {  	s18 =	sshrl.u32 s16, $0x1;
	_ =	swait.ge [sflag:s4], $0x8000  }
0x24: {  	s18 =	ssub.s32 s16, s18;
	[sflag:s4] =	ssyncset.done $0x0  }
0x25: {  	s31 =	smax.u32 s18, $0x1;
	[sflag:s4] =	ssyncadd.s32 $0xFFFF8000  }
0x26: {  	p0 =	sne.s32 s31, $0x1;
	_ =	swait.ge [sflag:s12], $0x8000  }
.Ltmp0:
0x27: {  	[sflag:s12] =	ssyncset.done $0x0;
	(pc) =	sbr.rel @!p0 .LBB2_2-.Ltmp0, $4  }
0x28: {  	s16 =	sadd.s32 $0x4400, s17;
	[sflag:s12] =	ssyncadd.s32 $0xFFFF8000  }
0x29: {  	[hbm4b:s16+s3] =	stream.linear.scatter [tilespmem:s8], [sflag:$0x3], $0x8000, $0x38;
	[tilespmem:$0x10400] =	vst v63  }
0x2a: {  	_ =	swait.ge [sflag:s4], $0x8000  }
0x2b: {  	s17 =	sadd.s32 $0xFFFFFFFF, s31;
	[sflag:s4] =	ssyncset.done $0x0  }
.LBB2_1:
0x2c: {  	p0 =	sne.s32 s17, $0x1;
	s17 =	sadd.s32 $0xFFFFFFFF, s17;
	[sflag:s4] =	ssyncadd.s32 $0xFFFF8000  }
0x2d: {  	[tilespmem:s3], [sflag:$0x3] =	stream.linear.gather [hbm4b:s5+s3], $0x400, $0x38;
	[tilespmem:$0x10400] =	vst v63  }
0x2e: {  	_ =	swait.ge [sflag:s4], $0x400  }
0x2f: {  	[sflag:s4] =	ssyncset.done $0x0  }
0x30: {  	[sflag:s4] =	ssyncadd.s32 $0xFFFFFC00  }
0x31: {  	[tilespmem:s7], [sflag:$0x1] =	stream.indirect.gather [hbm4b:s2+s6], $0x80, s3, s6, $0xb8;
	[tilespmem:$0x10400] =	vst v63  }
0x32: {  	_ = 	snop  }
0x33: {  	[tilespmem:s8], [sflag:$0x2] =	stream.indirect.gather [hbm4b:s2+s6], $0x80, s6, s6, $0xb8;
	[tilespmem:$0x10400] =	vst v63  }
0x34: {  	_ =	swait.ge [sflag:s9], $0x8000  }
0x35: {  	[sflag:s9] =	ssyncset.done $0x0  }
0x36: {  	[sflag:s9] =	ssyncadd.s32 $0xFFFF8000  }
0x37: {  	[hbm4b:s10+s3] =	stream.linear.scatter [tilespmem:s7], [sflag:$0x3], $0x8000, $0x38;
	[tilespmem:$0x10400] =	vst v63  }
0x38: {  	_ =	swait.ge [sflag:s4], $0x8000  }
0x39: {  	[sflag:s4] =	ssyncset.done $0x0  }
0x3a: {  	[sflag:s4] =	ssyncadd.s32 $0xFFFF8000  }
0x3b: {  	[tilespmem:s7], [sflag:$0x1] =	stream.indirect.gather [hbm4b:s2+s6], $0x80, s11, s6, $0xb8;
	[tilespmem:$0x10400] =	vst v63  }
0x3c: {  	_ =	swait.ge [sflag:s12], $0x8000  }
0x3d: {  	[sflag:s12] =	ssyncset.done $0x0  }
0x3e: {  	[sflag:s12] =	ssyncadd.s32 $0xFFFF8000  }
0x3f: {  	[hbm4b:s13+s3] =	stream.linear.scatter [tilespmem:s8], [sflag:$0x3], $0x8000, $0x38;
	[tilespmem:$0x10400] =	vst v63  }
0x40: {  	_ =	swait.ge [sflag:s4], $0x8000  }
0x41: {  	[sflag:s4] =	ssyncset.done $0x0  }
0x42: {  	[sflag:s4] =	ssyncadd.s32 $0xFFFF8000  }
0x43: {  	[tilespmem:s8], [sflag:$0x2] =	stream.indirect.gather [hbm4b:s2+s6], $0x80, s14, s6, $0xb8;
	[tilespmem:$0x10400] =	vst v63  }
0x44: {  	_ =	swait.ge [sflag:s9], $0x8000  }
0x45: {  	[sflag:s9] =	ssyncset.done $0x0  }
0x46: {  	[sflag:s9] =	ssyncadd.s32 $0xFFFF8000  }
0x47: {  	[hbm4b:s15+s3] =	stream.linear.scatter [tilespmem:s7], [sflag:$0x3], $0x8000, $0x38;
	[tilespmem:$0x10400] =	vst v63  }
0x48: {  	_ =	swait.ge [sflag:s4], $0x8000  }
0x49: {  	[sflag:s4] =	ssyncset.done $0x0  }
0x4a: {  	[sflag:s4] =	ssyncadd.s32 $0xFFFF8000  }
0x4b: {  	_ =	swait.ge [sflag:s12], $0x8000  }
.Ltmp1:
0x4c: {  	[sflag:s12] =	ssyncset.done $0x0;
	(pc) =	sbr.rel @p0 .LBB2_1-.Ltmp1, $4  }
0x4d: {  	[sflag:s12] =	ssyncadd.s32 $0xFFFF8000  }
0x4e: {  	[hbm4b:s16+s3] =	stream.linear.scatter [tilespmem:s8], [sflag:$0x3], $0x8000, $0x38;
	[tilespmem:$0x10400] =	vst v63  }
0x4f: {  	_ =	swait.ge [sflag:s4], $0x8000  }
0x50: {  	[sflag:s4] =	ssyncset.done $0x0  }
.LBB2_2:
0x51: {  	[sflag:s4] =	ssyncadd.s32 $0xFFFF8000  }
0x52: {  	_ =	sfence.sel $0x180000  }
0x53: {  	[bflag:$0x0] =	sbarrier.arrive $0xFFFF  }
0x54: {  	p0 =	sne.s32 s0, $0x0;
	_ =	strace $0x90000047  }
0x55: {  	s0 =	sadd.s32 @!p0 $0x100000, s1;
	[bflag:$0x2] =	sbarrier.arrive $0xFFFF  }
0x56: {  	[sflag:s0] =	ssyncadd.tile.s32 @!p0 $0x1;
	_ =	shalt  }
.Lfunc_end2:
_tile_overlayer_lowered:
.L_overlay_start_2:
0x57: {  	(tag) =	ssettag $0x2  }
0x58: {  	s0 =	rddreg [dreg:$0x0];
	s2 =	stileid.u32  }
0x59: {  	s1 =	rddreg [dreg:$0x1];
	p0 =	sne.s32 s2, $0x0  }
0x5a: {  	s3 =	rddreg [dreg:$0x2];
	[bflag:$0x3] =	sbarrier.arrive $0xFFFF;
	s2 =	simm.s32 @!p0 $0x1C03  }
0x5b: {  	[timem:s3], [sflag:s2] =	dma.local @!p0 [hbm:s0], s1  }
0x5c: {  	s0 =	simm.s32 @!p0 $0x3  }
0x5d: {  	_ =	swait.ge @!p0 [sflag:s0], s1  }
0x5e: {  	s1 =	ssub.s32 @!p0 $0x0, s1;
	[sflag:s0] =	ssyncset.done @!p0 $0x0  }
0x5f: {  	[sflag:s0] =	ssyncadd.s32 @!p0 s1  }
0x60: {  	[bflag:$0x3] =	sbarrier.arrive $0xFFFF  }
0x61: {  	_ =	shalt  }

</sc_bundles>
